<compile_context>
chip_gen: v7x
topology: tpu7x:2x2x1
jax: 0.10.2.dev20260603
libtpu: 0.0.44.dev20260713+nightly
codegen_flags: <defaults>
</compile_context>

<pallas_src>
import functools

import jax
import jax.numpy as jnp
from jax import lax
from jax.experimental import pallas as pl
from jax.experimental.pallas import tpu as pltpu
from jax.experimental.pallas import tpu_sc as plsc

N_CORES = 2
N_SUBCORES = 16
N_WORKERS = N_CORES * N_SUBCORES
LANES = 16
BLK = 128


def _proj_body(x_ref, wu_ref, bu_ref, wv_ref, bv_ref, ku_ref, kv_ref):
    x = x_ref[...]
    ku_ref[...] = jnp.dot(x, wu_ref[...], preferred_element_type=jnp.float32) + bu_ref[...]
    kv_ref[...] = jnp.dot(x, wv_ref[...], preferred_element_type=jnp.float32) + bv_ref[...]


def _edge_body(ku_hbm, kv_hbm, e0_hbm, e1_hbm, hs_hbm, out_hbm,
               idx0_v, idx1_v, a_v, b_v, out_v, hs_v, sem):
    nblocks = e0_hbm.shape[0]
    wid = lax.axis_index("s") * N_CORES + lax.axis_index("c")
    nsteps = (nblocks + N_WORKERS - 1) // N_WORKERS

    pltpu.sync_copy(hs_hbm, hs_v)
    hsv = hs_v[...]
    lane = lax.iota(jnp.int32, LANES)
    sh1 = lane ^ 1
    sh2 = lane ^ 2
    place = [((lane - 4 * k) << 2) & 15 for k in range(4)]
    msk = [(lane >> 2) == k for k in range(4)]
    one = jnp.full((LANES,), 1.0, jnp.float32)

    def step(t, _):
        b = wid + t * N_WORKERS

        @pl.when(b < nblocks)
        def _():
            pltpu.sync_copy(e0_hbm.at[b], idx0_v)
            pltpu.sync_copy(e1_hbm.at[b], idx1_v)
            c1 = pltpu.async_copy(ku_hbm.at[idx0_v], a_v, sem)
            c2 = pltpu.async_copy(kv_hbm.at[idx1_v], b_v, sem)
            c1.wait()
            c2.wait()

            def edge4(i, _):
                acc = one
                for k in range(4):
                    p = a_v[4 * i + k] * b_v[4 * i + k]
                    t1 = p + p.at[sh1].get(mode="promise_in_bounds")
                    s = t1 + t1.at[sh2].get(mode="promise_in_bounds")
                    d = s.at[place[k]].get(mode="promise_in_bounds")
                    acc = jnp.where(msk[k], d, acc)
                out_v[i] = hsv / (one + jnp.exp(-acc)) + one
                return 0

            lax.fori_loop(0, BLK // 4, edge4, 0)
            pltpu.sync_copy(out_v, out_hbm.at[pl.ds(b * (BLK // 4), BLK // 4), :])

        return 0

    lax.fori_loop(0, nsteps, step, 0)


def kernel(x, e, ratio, Wqu, bqu, Wqv, bqv):
    n, h = x.shape
    out_dim = Wqu.shape[1]
    num_e = e.shape[1]
    stru = 4
    assert out_dim == LANES and num_e % BLK == 0

    ku, kv = pl.pallas_call(
        _proj_body,
        out_shape=(
            jax.ShapeDtypeStruct((n, out_dim), jnp.float32),
            jax.ShapeDtypeStruct((n, out_dim), jnp.float32),
        ),
    )(x, Wqu, bqu.reshape(1, out_dim), Wqv, bqv.reshape(1, out_dim))

    e0 = e[0].reshape(num_e // BLK, BLK).astype(jnp.int32)
    e1 = e[1].reshape(num_e // BLK, BLK).astype(jnp.int32)
    hs = jnp.full((LANES,), (1.0 - ratio) * 0.5, jnp.float32)

    mesh = plsc.VectorSubcoreMesh(core_axis_name="c", subcore_axis_name="s")
    edge_kernel = pl.kernel(
        _edge_body,
        out_type=jax.ShapeDtypeStruct((num_e // 4, LANES), jnp.float32),
        mesh=mesh,
        scratch_types=[
            pltpu.VMEM((BLK,), jnp.int32),
            pltpu.VMEM((BLK,), jnp.int32),
            pltpu.VMEM((BLK, LANES), jnp.float32),
            pltpu.VMEM((BLK, LANES), jnp.float32),
            pltpu.VMEM((BLK // 4, LANES), jnp.float32),
            pltpu.VMEM((LANES,), jnp.float32),
            pltpu.SemaphoreType.DMA,
        ],
        compiler_params=pltpu.CompilerParams(use_tc_tiling_on_sc=False),
    )
    out = edge_kernel(ku, kv, e0, e1, hs).reshape(num_e, stru)
    return tuple(out[:, i] for i in range(stru))

# --- scband reference (transcript-rebuilt; emitter-appended) ---
"""Pipeline reference for scband-structure-mask-72885595013728 (READ-ONLY COPY).

The authoritative reference and input builder live on the scoring server;
editing this copy changes nothing except your own understanding.
"""

import jax, jax.numpy as jnp
import numpy as np

N = 10000
E = 320000
H = 128
N_CHUNKS = 4
STRU_SIZE = 4
OUT_DIM = N_CHUNKS * STRU_SIZE


def setup_inputs(seed: int = 0) -> dict:
    key = jax.random.key(seed)
    ks = jax.random.split(key, 8)
    x = jax.random.normal(ks[0], (N, H), dtype=jnp.float32)
    e = jax.random.randint(ks[1], (2, E), 0, N)
    ratio = jnp.float32(0.5)
    scale = 1.0 / np.sqrt(H)
    Wqu = jax.random.uniform(ks[2], (H, OUT_DIM), dtype=jnp.float32, minval=-scale, maxval=scale)
    bqu = jax.random.uniform(ks[3], (OUT_DIM,), dtype=jnp.float32, minval=-scale, maxval=scale)
    Wqv = jax.random.uniform(ks[4], (H, OUT_DIM), dtype=jnp.float32, minval=-scale, maxval=scale)
    bqv = jax.random.uniform(ks[5], (OUT_DIM,), dtype=jnp.float32, minval=-scale, maxval=scale)
    return {"x": x, "e": e, "ratio": ratio, "Wqu": Wqu, "bqu": bqu, "Wqv": Wqv, "bqv": bqv}


def reference(x, e, ratio, Wqu, bqu, Wqv, bqv):
    eu_idx = e[0, :]
    ev_idx = e[1, :]
    eu = jnp.take(x, eu_idx, axis=0)
    ev = jnp.take(x, ev_idx, axis=0)
    ku = eu @ Wqu + bqu
    kv = ev @ Wqv + bqv
    ks = ku * kv
    sws = jnp.split(ks, STRU_SIZE, axis=1)
    stru_weights = tuple(jax.nn.sigmoid(p.sum(axis=1)) * (1.0 - ratio) * 0.5 + 1.0 for p in sws)
    return stru_weights

if __name__ == "__main__":
    import jax
    _d = setup_inputs()
    print(jax.jit(kernel)(*tuple(_d.values())))

</pallas_src>

<mosaic_0001>
#map = affine_map<(d0, d1) -> (0, 0)>
#map1 = affine_map<(d0, d1) -> (0)>
module attributes {stable_mosaic.version = 14 : i64} {
  func.func @_edge_body(%arg0: i32, %arg1: i32, %arg2: memref<10000x16xf32, #tpu.memory_space<hbm>>, %arg3: memref<10000x16xf32, #tpu.memory_space<hbm>>, %arg4: memref<2500x128xi32, #tpu.memory_space<hbm>>, %arg5: memref<2500x128xi32, #tpu.memory_space<hbm>>, %arg6: memref<16xf32, #tpu.memory_space<hbm>>, %arg7: memref<80000x16xf32, #tpu.memory_space<hbm>>, %arg8: memref<128xi32, #tpu.memory_space<vmem>>, %arg9: memref<128xi32, #tpu.memory_space<vmem>>, %arg10: memref<128x16xf32, #tpu.memory_space<vmem>>, %arg11: memref<128x16xf32, #tpu.memory_space<vmem>>, %arg12: memref<32x16xf32, #tpu.memory_space<vmem>>, %arg13: memref<16xf32, #tpu.memory_space<vmem>>, %arg14: memref<!tpu.dma_semaphore, #tpu.memory_space<semaphore_mem>>) attributes {dimension_semantics = [#tpu.dimension_semantics<core_parallel>, #tpu.dimension_semantics<subcore_parallel>], iteration_bounds = array<i64: 2, 16>, scalar_prefetch = 0 : i64, scratch_operands = 7 : i64, tpu.core_type = #tpu.core_type<sc_vector_subcore>, window_params = [{transform_indices = #map}, {transform_indices = #map}, {transform_indices = #map}, {transform_indices = #map}, {transform_indices = #map1}, {transform_indices = #map}]} {
    %mul3A = arith.constant 2 : i32
    %mul3A_0 = arith.muli %arg1, %mul3A : i32
    %add3A = arith.addi %mul3A_0, %arg0 : i32
    "tpu.region"() ({
      %run_scoped3A = tpu.sem_alloc : memref<!tpu.dma_semaphore, #tpu.memory_space<semaphore_mem>>
      tpu.enqueue_dma source(%arg6 : memref<16xf32, #tpu.memory_space<hbm>>) target(%arg13 : memref<16xf32, #tpu.memory_space<vmem>>) target_semaphore(%run_scoped3A : memref<!tpu.dma_semaphore, #tpu.memory_space<semaphore_mem>>)
      tpu.wait_dma2 semaphore(%run_scoped3A : memref<!tpu.dma_semaphore, #tpu.memory_space<semaphore_mem>>) src(%arg6 : memref<16xf32, #tpu.memory_space<hbm>>) dst(%arg13 : memref<16xf32, #tpu.memory_space<vmem>>)
      tpu.yield
    }) : () -> ()
    %get3A = arith.constant 0 : index
    %get3A_1 = tpu.vector_load %arg13[%get3A] {strides = array<i32>} : memref<16xf32, #tpu.memory_space<vmem>>, vector<16xf32>,
    %get3A_2 = vector.shape_cast %get3A_1 : vector<16xf32> to vector<16xf32>
    %iota3A = tpu.iota {dimensions = array<i32: 0>} : vector<16xi32>
    %xor3A = arith.constant 1 : i32
    %xor3A_3 = vector.broadcast %xor3A : i32 to vector<16xi32>
    %xor3A_4 = arith.xori %iota3A, %xor3A_3 : vector<16xi32>
    %xor3A_5 = arith.constant 2 : i32
    %xor3A_6 = vector.broadcast %xor3A_5 : i32 to vector<16xi32>
    %xor3A_7 = arith.xori %iota3A, %xor3A_6 : vector<16xi32>
    %sub3A = arith.constant 0 : i32
    %sub3A_8 = vector.broadcast %sub3A : i32 to vector<16xi32>
    %sub3A_9 = arith.subi %iota3A, %sub3A_8 : vector<16xi32>
    %shift_left3A = arith.constant 2 : i32
    %shift_left3A_10 = vector.broadcast %shift_left3A : i32 to vector<16xi32>
    %shift_left3A_11 = arith.shli %sub3A_9, %shift_left3A_10 : vector<16xi32>
    %and3A = arith.constant 15 : i32
    %and3A_12 = vector.broadcast %and3A : i32 to vector<16xi32>
    %and3A_13 = arith.andi %shift_left3A_11, %and3A_12 : vector<16xi32>
    %sub3A_14 = arith.constant 4 : i32
    %sub3A_15 = vector.broadcast %sub3A_14 : i32 to vector<16xi32>
    %sub3A_16 = arith.subi %iota3A, %sub3A_15 : vector<16xi32>
    %shift_left3A_17 = arith.constant 2 : i32
    %shift_left3A_18 = vector.broadcast %shift_left3A_17 : i32 to vector<16xi32>
    %shift_left3A_19 = arith.shli %sub3A_16, %shift_left3A_18 : vector<16xi32>
    %and3A_20 = arith.constant 15 : i32
    %and3A_21 = vector.broadcast %and3A_20 : i32 to vector<16xi32>
    %and3A_22 = arith.andi %shift_left3A_19, %and3A_21 : vector<16xi32>
    %sub3A_23 = arith.constant 8 : i32
    %sub3A_24 = vector.broadcast %sub3A_23 : i32 to vector<16xi32>
    %sub3A_25 = arith.subi %iota3A, %sub3A_24 : vector<16xi32>
    %shift_left3A_26 = arith.constant 2 : i32
    %shift_left3A_27 = vector.broadcast %shift_left3A_26 : i32 to vector<16xi32>
    %shift_left3A_28 = arith.shli %sub3A_25, %shift_left3A_27 : vector<16xi32>
    %and3A_29 = arith.constant 15 : i32
    %and3A_30 = vector.broadcast %and3A_29 : i32 to vector<16xi32>
    %and3A_31 = arith.andi %shift_left3A_28, %and3A_30 : vector<16xi32>
    %sub3A_32 = arith.constant 12 : i32
    %sub3A_33 = vector.broadcast %sub3A_32 : i32 to vector<16xi32>
    %sub3A_34 = arith.subi %iota3A, %sub3A_33 : vector<16xi32>
    %shift_left3A_35 = arith.constant 2 : i32
    %shift_left3A_36 = vector.broadcast %shift_left3A_35 : i32 to vector<16xi32>
    %shift_left3A_37 = arith.shli %sub3A_34, %shift_left3A_36 : vector<16xi32>
    %and3A_38 = arith.constant 15 : i32
    %and3A_39 = vector.broadcast %and3A_38 : i32 to vector<16xi32>
    %and3A_40 = arith.andi %shift_left3A_37, %and3A_39 : vector<16xi32>
    %shift_right_arithmetic3A = arith.constant 2 : i32
    %shift_right_arithmetic3A_41 = vector.broadcast %shift_right_arithmetic3A : i32 to vector<16xi32>
    %shift_right_arithmetic3A_42 = arith.shrsi %iota3A, %shift_right_arithmetic3A_41 : vector<16xi32>
    %eq3A = arith.constant 0 : i32
    %eq3A_43 = vector.broadcast %eq3A : i32 to vector<16xi32>
    %eq3A_44 = arith.cmpi eq, %shift_right_arithmetic3A_42, %eq3A_43 : vector<16xi32>
    %shift_right_arithmetic3A_45 = arith.constant 2 : i32
    %shift_right_arithmetic3A_46 = vector.broadcast %shift_right_arithmetic3A_45 : i32 to vector<16xi32>
    %shift_right_arithmetic3A_47 = arith.shrsi %iota3A, %shift_right_arithmetic3A_46 : vector<16xi32>
    %eq3A_48 = arith.constant 1 : i32
    %eq3A_49 = vector.broadcast %eq3A_48 : i32 to vector<16xi32>
    %eq3A_50 = arith.cmpi eq, %shift_right_arithmetic3A_47, %eq3A_49 : vector<16xi32>
    %shift_right_arithmetic3A_51 = arith.constant 2 : i32
    %shift_right_arithmetic3A_52 = vector.broadcast %shift_right_arithmetic3A_51 : i32 to vector<16xi32>
    %shift_right_arithmetic3A_53 = arith.shrsi %iota3A, %shift_right_arithmetic3A_52 : vector<16xi32>
    %eq3A_54 = arith.constant 2 : i32
    %eq3A_55 = vector.broadcast %eq3A_54 : i32 to vector<16xi32>
    %eq3A_56 = arith.cmpi eq, %shift_right_arithmetic3A_53, %eq3A_55 : vector<16xi32>
    %shift_right_arithmetic3A_57 = arith.constant 2 : i32
    %shift_right_arithmetic3A_58 = vector.broadcast %shift_right_arithmetic3A_57 : i32 to vector<16xi32>
    %shift_right_arithmetic3A_59 = arith.shrsi %iota3A, %shift_right_arithmetic3A_58 : vector<16xi32>
    %eq3A_60 = arith.constant 3 : i32
    %eq3A_61 = vector.broadcast %eq3A_60 : i32 to vector<16xi32>
    %eq3A_62 = arith.cmpi eq, %shift_right_arithmetic3A_59, %eq3A_61 : vector<16xi32>
    %broadcast_in_dim3A = arith.constant 1.000000e+00 : f32
    %broadcast_in_dim3A_63 = vector.broadcast %broadcast_in_dim3A : f32 to vector<16xf32>
    %scan3A = arith.constant 0 : i32
    %scan3A_64 = arith.constant 0 : i32
    %scan3A_65 = arith.constant 79 : i32
    %scan3A_66 = arith.addi %scan3A_64, %scan3A_65 : i32
    %scan3A_67 = arith.constant 1 : i32
    %scan3A_68 = scf.for %scan3A_70 = %scan3A_64 to %scan3A_66 step %scan3A_67 iter_args(%scan3A_71 = %scan3A) -> (i32)  : i32 {
      %mul3A_72 = arith.constant 32 : i32
      %mul3A_73 = arith.muli %scan3A_70, %mul3A_72 : i32
      %add3A_74 = arith.addi %add3A, %mul3A_73 : i32
      %lt3A = arith.constant 2500 : i32
      %lt3A_75 = arith.cmpi slt, %add3A_74, %lt3A : i32
      %convert_element_type3A = arith.extui %lt3A_75 : i1 to i32
      %cond3A = arith.constant 0 : i32
      %cond3A_76 = arith.cmpi ne, %convert_element_type3A, %cond3A : i32
      scf.if %cond3A_76 {
        "tpu.region"() ({
          %run_scoped3A = tpu.sem_alloc : memref<!tpu.dma_semaphore, #tpu.memory_space<semaphore_mem>>
          %dma_start3A_97 = arith.constant 0 : i32
          %dma_start3A_98 = tpu.memref_slice %arg4[%add3A_74, %dma_start3A_97] : memref<2500x128xi32, #tpu.memory_space<hbm>> -> memref<1x128xi32, #tpu.memory_space<hbm>>
          %dma_start3A_99 = tpu.memref_squeeze %dma_start3A_98 : memref<1x128xi32, #tpu.memory_space<hbm>> -> memref<128xi32, #tpu.memory_space<hbm>>
          %dma_start3A_100 = arith.constant 0 : i32
          %dma_start3A_101 = tpu.memref_slice %arg4[%add3A_74, %dma_start3A_100] : memref<2500x128xi32, #tpu.memory_space<hbm>> -> memref<1x128xi32, #tpu.memory_space<hbm>>
          %dma_start3A_102 = tpu.memref_squeeze %dma_start3A_101 : memref<1x128xi32, #tpu.memory_space<hbm>> -> memref<128xi32, #tpu.memory_space<hbm>>
          tpu.enqueue_dma source(%dma_start3A_102 : memref<128xi32, #tpu.memory_space<hbm>>) target(%arg8 : memref<128xi32, #tpu.memory_space<vmem>>) target_semaphore(%run_scoped3A : memref<!tpu.dma_semaphore, #tpu.memory_space<semaphore_mem>>)
          %dma_wait3A_103 = arith.constant 0 : i32
          %dma_wait3A_104 = tpu.memref_slice %arg4[%add3A_74, %dma_wait3A_103] : memref<2500x128xi32, #tpu.memory_space<hbm>> -> memref<1x128xi32, #tpu.memory_space<hbm>>
          %dma_wait3A_105 = tpu.memref_squeeze %dma_wait3A_104 : memref<1x128xi32, #tpu.memory_space<hbm>> -> memref<128xi32, #tpu.memory_space<hbm>>
          %dma_wait3A_106 = arith.constant 0 : i32
          %dma_wait3A_107 = tpu.memref_slice %arg4[%add3A_74, %dma_wait3A_106] : memref<2500x128xi32, #tpu.memory_space<hbm>> -> memref<1x128xi32, #tpu.memory_space<hbm>>
          %dma_wait3A_108 = tpu.memref_squeeze %dma_wait3A_107 : memref<1x128xi32, #tpu.memory_space<hbm>> -> memref<128xi32, #tpu.memory_space<hbm>>
          tpu.wait_dma2 semaphore(%run_scoped3A : memref<!tpu.dma_semaphore, #tpu.memory_space<semaphore_mem>>) src(%dma_wait3A_108 : memref<128xi32, #tpu.memory_space<hbm>>) dst(%arg8 : memref<128xi32, #tpu.memory_space<vmem>>)
          tpu.yield
        }) : () -> ()
        "tpu.region"() ({
          %run_scoped3A = tpu.sem_alloc : memref<!tpu.dma_semaphore, #tpu.memory_space<semaphore_mem>>
          %dma_start3A_97 = arith.constant 0 : i32
          %dma_start3A_98 = tpu.memref_slice %arg5[%add3A_74, %dma_start3A_97] : memref<2500x128xi32, #tpu.memory_space<hbm>> -> memref<1x128xi32, #tpu.memory_space<hbm>>
          %dma_start3A_99 = tpu.memref_squeeze %dma_start3A_98 : memref<1x128xi32, #tpu.memory_space<hbm>> -> memref<128xi32, #tpu.memory_space<hbm>>
          %dma_start3A_100 = arith.constant 0 : i32
          %dma_start3A_101 = tpu.memref_slice %arg5[%add3A_74, %dma_start3A_100] : memref<2500x128xi32, #tpu.memory_space<hbm>> -> memref<1x128xi32, #tpu.memory_space<hbm>>
          %dma_start3A_102 = tpu.memref_squeeze %dma_start3A_101 : memref<1x128xi32, #tpu.memory_space<hbm>> -> memref<128xi32, #tpu.memory_space<hbm>>
          tpu.enqueue_dma source(%dma_start3A_102 : memref<128xi32, #tpu.memory_space<hbm>>) target(%arg9 : memref<128xi32, #tpu.memory_space<vmem>>) target_semaphore(%run_scoped3A : memref<!tpu.dma_semaphore, #tpu.memory_space<semaphore_mem>>)
          %dma_wait3A_103 = arith.constant 0 : i32
          %dma_wait3A_104 = tpu.memref_slice %arg5[%add3A_74, %dma_wait3A_103] : memref<2500x128xi32, #tpu.memory_space<hbm>> -> memref<1x128xi32, #tpu.memory_space<hbm>>
          %dma_wait3A_105 = tpu.memref_squeeze %dma_wait3A_104 : memref<1x128xi32, #tpu.memory_space<hbm>> -> memref<128xi32, #tpu.memory_space<hbm>>
          %dma_wait3A_106 = arith.constant 0 : i32
          %dma_wait3A_107 = tpu.memref_slice %arg5[%add3A_74, %dma_wait3A_106] : memref<2500x128xi32, #tpu.memory_space<hbm>> -> memref<1x128xi32, #tpu.memory_space<hbm>>
          %dma_wait3A_108 = tpu.memref_squeeze %dma_wait3A_107 : memref<1x128xi32, #tpu.memory_space<hbm>> -> memref<128xi32, #tpu.memory_space<hbm>>
          tpu.wait_dma2 semaphore(%run_scoped3A : memref<!tpu.dma_semaphore, #tpu.memory_space<semaphore_mem>>) src(%dma_wait3A_108 : memref<128xi32, #tpu.memory_space<hbm>>) dst(%arg9 : memref<128xi32, #tpu.memory_space<vmem>>)
          tpu.yield
        }) : () -> ()
        %dma_start3A = arith.constant 0 : i32
        %dma_start3A_78 = arith.constant 0 : i32
        %dma_start3A_79 = tpu.memref_slice %arg2[%dma_start3A, %dma_start3A_78] : memref<10000x16xf32, #tpu.memory_space<hbm>> -> memref<10000x16xf32, #tpu.memory_space<hbm>>
        tpu.enqueue_indirect_dma source(%dma_start3A_79 : memref<10000x16xf32, #tpu.memory_space<hbm>>) target(%arg10 : memref<128x16xf32, #tpu.memory_space<vmem>>) offsets(%arg8 : memref<128xi32, #tpu.memory_space<vmem>>) semaphore(%arg14 : memref<!tpu.dma_semaphore, #tpu.memory_space<semaphore_mem>>)
        %dma_start3A_80 = arith.constant 0 : i32
        %dma_start3A_81 = arith.constant 0 : i32
        %dma_start3A_82 = tpu.memref_slice %arg3[%dma_start3A_80, %dma_start3A_81] : memref<10000x16xf32, #tpu.memory_space<hbm>> -> memref<10000x16xf32, #tpu.memory_space<hbm>>
        tpu.enqueue_indirect_dma source(%dma_start3A_82 : memref<10000x16xf32, #tpu.memory_space<hbm>>) target(%arg11 : memref<128x16xf32, #tpu.memory_space<vmem>>) offsets(%arg9 : memref<128xi32, #tpu.memory_space<vmem>>) semaphore(%arg14 : memref<!tpu.dma_semaphore, #tpu.memory_space<semaphore_mem>>)
        %dma_wait3A = arith.constant 0 : i32
        %dma_wait3A_83 = arith.constant 0 : i32
        %dma_wait3A_84 = tpu.memref_slice %arg2[%dma_wait3A, %dma_wait3A_83] : memref<10000x16xf32, #tpu.memory_space<hbm>> -> memref<10000x16xf32, #tpu.memory_space<hbm>>
        tpu.wait_indirect_dma semaphore(%arg14 : memref<!tpu.dma_semaphore, #tpu.memory_space<semaphore_mem>>) src(%dma_wait3A_84 : memref<10000x16xf32, #tpu.memory_space<hbm>>) dst(%arg10 : memref<128x16xf32, #tpu.memory_space<vmem>>)
        %dma_wait3A_85 = arith.constant 0 : i32
        %dma_wait3A_86 = arith.constant 0 : i32
        %dma_wait3A_87 = tpu.memref_slice %arg3[%dma_wait3A_85, %dma_wait3A_86] : memref<10000x16xf32, #tpu.memory_space<hbm>> -> memref<10000x16xf32, #tpu.memory_space<hbm>>
        tpu.wait_indirect_dma semaphore(%arg14 : memref<!tpu.dma_semaphore, #tpu.memory_space<semaphore_mem>>) src(%dma_wait3A_87 : memref<10000x16xf32, #tpu.memory_space<hbm>>) dst(%arg11 : memref<128x16xf32, #tpu.memory_space<vmem>>)
        %scan3A_88 = arith.constant 0 : i32
        %scan3A_89 = arith.constant 0 : i32
        %scan3A_90 = arith.constant 32 : i32
        %scan3A_91 = arith.addi %scan3A_89, %scan3A_90 : i32
        %scan3A_92 = arith.constant 1 : i32
        %scan3A_93 = scf.for %scan3A_97 = %scan3A_89 to %scan3A_91 step %scan3A_92 iter_args(%scan3A_98 = %scan3A_88) -> (i32)  : i32 {
          %mul3A_99 = arith.constant 4 : i32
          %mul3A_100 = arith.muli %mul3A_99, %scan3A_97 : i32
          %add3A_101 = arith.constant 0 : i32
          %add3A_102 = arith.addi %mul3A_100, %add3A_101 : i32
          %get3A_103 = arith.index_cast %add3A_102 : i32 to index
          %get3A_104 = arith.constant 0 : index
          %get3A_105 = tpu.vector_load %arg10[%get3A_103, %get3A_104] {strides = array<i32>} : memref<128x16xf32, #tpu.memory_space<vmem>>, vector<1x16xf32>,
          %get3A_106 = vector.shape_cast %get3A_105 : vector<1x16xf32> to vector<16xf32>
          %mul3A_107 = arith.constant 4 : i32
          %mul3A_108 = arith.muli %mul3A_107, %scan3A_97 : i32
          %add3A_109 = arith.constant 0 : i32
          %add3A_110 = arith.addi %mul3A_108, %add3A_109 : i32
          %get3A_111 = arith.index_cast %add3A_110 : i32 to index
          %get3A_112 = arith.constant 0 : index
          %get3A_113 = tpu.vector_load %arg11[%get3A_111, %get3A_112] {strides = array<i32>} : memref<128x16xf32, #tpu.memory_space<vmem>>, vector<1x16xf32>,
          %get3A_114 = vector.shape_cast %get3A_113 : vector<1x16xf32> to vector<16xf32>
          %mul3A_115 = arith.mulf %get3A_106, %get3A_114 : vector<16xf32>
          %lt3A_116 = arith.constant 0 : i32
          %lt3A_117 = vector.broadcast %lt3A_116 : i32 to vector<16xi32>
          %lt3A_118 = arith.cmpi slt, %xor3A_4, %lt3A_117 : vector<16xi32>
          %add3A_119 = arith.constant 16 : i32
          %add3A_120 = vector.broadcast %add3A_119 : i32 to vector<16xi32>
          %add3A_121 = arith.addi %xor3A_4, %add3A_120 : vector<16xi32>
          %select_n3A = arith.select %lt3A_118, %add3A_121, %xor3A_4 : vector<16xi1>, vector<16xi32>
          %broadcast_in_dim3A_122 = vector.shape_cast %select_n3A : vector<16xi32> to vector<16x1xi32>
          %gather3A = vector.shape_cast %broadcast_in_dim3A_122 : vector<16x1xi32> to vector<16xi32>
          %gather3A_123 = tpu.dynamic_gather %mul3A_115[%gather3A] in [0] : vector<16xf32>, vector<16xi32> -> vector<16xf32>
          %add3A_124 = arith.addf %mul3A_115, %gather3A_123 : vector<16xf32>
          %lt3A_125 = arith.constant 0 : i32
          %lt3A_126 = vector.broadcast %lt3A_125 : i32 to vector<16xi32>
          %lt3A_127 = arith.cmpi slt, %xor3A_7, %lt3A_126 : vector<16xi32>
          %add3A_128 = arith.constant 16 : i32
          %add3A_129 = vector.broadcast %add3A_128 : i32 to vector<16xi32>
          %add3A_130 = arith.addi %xor3A_7, %add3A_129 : vector<16xi32>
          %select_n3A_131 = arith.select %lt3A_127, %add3A_130, %xor3A_7 : vector<16xi1>, vector<16xi32>
          %broadcast_in_dim3A_132 = vector.shape_cast %select_n3A_131 : vector<16xi32> to vector<16x1xi32>
          %gather3A_133 = vector.shape_cast %broadcast_in_dim3A_132 : vector<16x1xi32> to vector<16xi32>
          %gather3A_134 = tpu.dynamic_gather %add3A_124[%gather3A_133] in [0] : vector<16xf32>, vector<16xi32> -> vector<16xf32>
          %add3A_135 = arith.addf %add3A_124, %gather3A_134 : vector<16xf32>
          %lt3A_136 = arith.constant 0 : i32
          %lt3A_137 = vector.broadcast %lt3A_136 : i32 to vector<16xi32>
          %lt3A_138 = arith.cmpi slt, %and3A_13, %lt3A_137 : vector<16xi32>
          %add3A_139 = arith.constant 16 : i32
          %add3A_140 = vector.broadcast %add3A_139 : i32 to vector<16xi32>
          %add3A_141 = arith.addi %and3A_13, %add3A_140 : vector<16xi32>
          %select_n3A_142 = arith.select %lt3A_138, %add3A_141, %and3A_13 : vector<16xi1>, vector<16xi32>
          %broadcast_in_dim3A_143 = vector.shape_cast %select_n3A_142 : vector<16xi32> to vector<16x1xi32>
          %gather3A_144 = vector.shape_cast %broadcast_in_dim3A_143 : vector<16x1xi32> to vector<16xi32>
          %gather3A_145 = tpu.dynamic_gather %add3A_135[%gather3A_144] in [0] : vector<16xf32>, vector<16xi32> -> vector<16xf32>
          %select_n3A_146 = arith.select %eq3A_44, %gather3A_145, %broadcast_in_dim3A_63 : vector<16xi1>, vector<16xf32>
          %mul3A_147 = arith.constant 4 : i32
          %mul3A_148 = arith.muli %mul3A_147, %scan3A_97 : i32
          %add3A_149 = arith.constant 1 : i32
          %add3A_150 = arith.addi %mul3A_148, %add3A_149 : i32
          %get3A_151 = arith.index_cast %add3A_150 : i32 to index
          %get3A_152 = arith.constant 0 : index
          %get3A_153 = tpu.vector_load %arg10[%get3A_151, %get3A_152] {strides = array<i32>} : memref<128x16xf32, #tpu.memory_space<vmem>>, vector<1x16xf32>,
          %get3A_154 = vector.shape_cast %get3A_153 : vector<1x16xf32> to vector<16xf32>
          %mul3A_155 = arith.constant 4 : i32
          %mul3A_156 = arith.muli %mul3A_155, %scan3A_97 : i32
          %add3A_157 = arith.constant 1 : i32
          %add3A_158 = arith.addi %mul3A_156, %add3A_157 : i32
          %get3A_159 = arith.index_cast %add3A_158 : i32 to index
          %get3A_160 = arith.constant 0 : index
          %get3A_161 = tpu.vector_load %arg11[%get3A_159, %get3A_160] {strides = array<i32>} : memref<128x16xf32, #tpu.memory_space<vmem>>, vector<1x16xf32>,
          %get3A_162 = vector.shape_cast %get3A_161 : vector<1x16xf32> to vector<16xf32>
          %mul3A_163 = arith.mulf %get3A_154, %get3A_162 : vector<16xf32>
          %lt3A_164 = arith.constant 0 : i32
          %lt3A_165 = vector.broadcast %lt3A_164 : i32 to vector<16xi32>
          %lt3A_166 = arith.cmpi slt, %xor3A_4, %lt3A_165 : vector<16xi32>
          %add3A_167 = arith.constant 16 : i32
          %add3A_168 = vector.broadcast %add3A_167 : i32 to vector<16xi32>
          %add3A_169 = arith.addi %xor3A_4, %add3A_168 : vector<16xi32>
          %select_n3A_170 = arith.select %lt3A_166, %add3A_169, %xor3A_4 : vector<16xi1>, vector<16xi32>
          %broadcast_in_dim3A_171 = vector.shape_cast %select_n3A_170 : vector<16xi32> to vector<16x1xi32>
          %gather3A_172 = vector.shape_cast %broadcast_in_dim3A_171 : vector<16x1xi32> to vector<16xi32>
          %gather3A_173 = tpu.dynamic_gather %mul3A_163[%gather3A_172] in [0] : vector<16xf32>, vector<16xi32> -> vector<16xf32>
          %add3A_174 = arith.addf %mul3A_163, %gather3A_173 : vector<16xf32>
          %lt3A_175 = arith.constant 0 : i32
          %lt3A_176 = vector.broadcast %lt3A_175 : i32 to vector<16xi32>
          %lt3A_177 = arith.cmpi slt, %xor3A_7, %lt3A_176 : vector<16xi32>
          %add3A_178 = arith.constant 16 : i32
          %add3A_179 = vector.broadcast %add3A_178 : i32 to vector<16xi32>
          %add3A_180 = arith.addi %xor3A_7, %add3A_179 : vector<16xi32>
          %select_n3A_181 = arith.select %lt3A_177, %add3A_180, %xor3A_7 : vector<16xi1>, vector<16xi32>
          %broadcast_in_dim3A_182 = vector.shape_cast %select_n3A_181 : vector<16xi32> to vector<16x1xi32>
          %gather3A_183 = vector.shape_cast %broadcast_in_dim3A_182 : vector<16x1xi32> to vector<16xi32>
          %gather3A_184 = tpu.dynamic_gather %add3A_174[%gather3A_183] in [0] : vector<16xf32>, vector<16xi32> -> vector<16xf32>
          %add3A_185 = arith.addf %add3A_174, %gather3A_184 : vector<16xf32>
          %lt3A_186 = arith.constant 0 : i32
          %lt3A_187 = vector.broadcast %lt3A_186 : i32 to vector<16xi32>
          %lt3A_188 = arith.cmpi slt, %and3A_22, %lt3A_187 : vector<16xi32>
          %add3A_189 = arith.constant 16 : i32
          %add3A_190 = vector.broadcast %add3A_189 : i32 to vector<16xi32>
          %add3A_191 = arith.addi %and3A_22, %add3A_190 : vector<16xi32>
          %select_n3A_192 = arith.select %lt3A_188, %add3A_191, %and3A_22 : vector<16xi1>, vector<16xi32>
          %broadcast_in_dim3A_193 = vector.shape_cast %select_n3A_192 : vector<16xi32> to vector<16x1xi32>
          %gather3A_194 = vector.shape_cast %broadcast_in_dim3A_193 : vector<16x1xi32> to vector<16xi32>
          %gather3A_195 = tpu.dynamic_gather %add3A_185[%gather3A_194] in [0] : vector<16xf32>, vector<16xi32> -> vector<16xf32>
          %select_n3A_196 = arith.select %eq3A_50, %gather3A_195, %select_n3A_146 : vector<16xi1>, vector<16xf32>
          %mul3A_197 = arith.constant 4 : i32
          %mul3A_198 = arith.muli %mul3A_197, %scan3A_97 : i32
          %add3A_199 = arith.constant 2 : i32
          %add3A_200 = arith.addi %mul3A_198, %add3A_199 : i32
          %get3A_201 = arith.index_cast %add3A_200 : i32 to index
          %get3A_202 = arith.constant 0 : index
          %get3A_203 = tpu.vector_load %arg10[%get3A_201, %get3A_202] {strides = array<i32>} : memref<128x16xf32, #tpu.memory_space<vmem>>, vector<1x16xf32>,
          %get3A_204 = vector.shape_cast %get3A_203 : vector<1x16xf32> to vector<16xf32>
          %mul3A_205 = arith.constant 4 : i32
          %mul3A_206 = arith.muli %mul3A_205, %scan3A_97 : i32
          %add3A_207 = arith.constant 2 : i32
          %add3A_208 = arith.addi %mul3A_206, %add3A_207 : i32
          %get3A_209 = arith.index_cast %add3A_208 : i32 to index
          %get3A_210 = arith.constant 0 : index
          %get3A_211 = tpu.vector_load %arg11[%get3A_209, %get3A_210] {strides = array<i32>} : memref<128x16xf32, #tpu.memory_space<vmem>>, vector<1x16xf32>,
          %get3A_212 = vector.shape_cast %get3A_211 : vector<1x16xf32> to vector<16xf32>
          %mul3A_213 = arith.mulf %get3A_204, %get3A_212 : vector<16xf32>
          %lt3A_214 = arith.constant 0 : i32
          %lt3A_215 = vector.broadcast %lt3A_214 : i32 to vector<16xi32>
          %lt3A_216 = arith.cmpi slt, %xor3A_4, %lt3A_215 : vector<16xi32>
          %add3A_217 = arith.constant 16 : i32
          %add3A_218 = vector.broadcast %add3A_217 : i32 to vector<16xi32>
          %add3A_219 = arith.addi %xor3A_4, %add3A_218 : vector<16xi32>
          %select_n3A_220 = arith.select %lt3A_216, %add3A_219, %xor3A_4 : vector<16xi1>, vector<16xi32>
          %broadcast_in_dim3A_221 = vector.shape_cast %select_n3A_220 : vector<16xi32> to vector<16x1xi32>
          %gather3A_222 = vector.shape_cast %broadcast_in_dim3A_221 : vector<16x1xi32> to vector<16xi32>
          %gather3A_223 = tpu.dynamic_gather %mul3A_213[%gather3A_222] in [0] : vector<16xf32>, vector<16xi32> -> vector<16xf32>
          %add3A_224 = arith.addf %mul3A_213, %gather3A_223 : vector<16xf32>
          %lt3A_225 = arith.constant 0 : i32
          %lt3A_226 = vector.broadcast %lt3A_225 : i32 to vector<16xi32>
          %lt3A_227 = arith.cmpi slt, %xor3A_7, %lt3A_226 : vector<16xi32>
          %add3A_228 = arith.constant 16 : i32
          %add3A_229 = vector.broadcast %add3A_228 : i32 to vector<16xi32>
          %add3A_230 = arith.addi %xor3A_7, %add3A_229 : vector<16xi32>
          %select_n3A_231 = arith.select %lt3A_227, %add3A_230, %xor3A_7 : vector<16xi1>, vector<16xi32>
          %broadcast_in_dim3A_232 = vector.shape_cast %select_n3A_231 : vector<16xi32> to vector<16x1xi32>
          %gather3A_233 = vector.shape_cast %broadcast_in_dim3A_232 : vector<16x1xi32> to vector<16xi32>
          %gather3A_234 = tpu.dynamic_gather %add3A_224[%gather3A_233] in [0] : vector<16xf32>, vector<16xi32> -> vector<16xf32>
          %add3A_235 = arith.addf %add3A_224, %gather3A_234 : vector<16xf32>
          %lt3A_236 = arith.constant 0 : i32
          %lt3A_237 = vector.broadcast %lt3A_236 : i32 to vector<16xi32>
          %lt3A_238 = arith.cmpi slt, %and3A_31, %lt3A_237 : vector<16xi32>
          %add3A_239 = arith.constant 16 : i32
          %add3A_240 = vector.broadcast %add3A_239 : i32 to vector<16xi32>
          %add3A_241 = arith.addi %and3A_31, %add3A_240 : vector<16xi32>
          %select_n3A_242 = arith.select %lt3A_238, %add3A_241, %and3A_31 : vector<16xi1>, vector<16xi32>
          %broadcast_in_dim3A_243 = vector.shape_cast %select_n3A_242 : vector<16xi32> to vector<16x1xi32>
          %gather3A_244 = vector.shape_cast %broadcast_in_dim3A_243 : vector<16x1xi32> to vector<16xi32>
          %gather3A_245 = tpu.dynamic_gather %add3A_235[%gather3A_244] in [0] : vector<16xf32>, vector<16xi32> -> vector<16xf32>
          %select_n3A_246 = arith.select %eq3A_56, %gather3A_245, %select_n3A_196 : vector<16xi1>, vector<16xf32>
          %mul3A_247 = arith.constant 4 : i32
          %mul3A_248 = arith.muli %mul3A_247, %scan3A_97 : i32
          %add3A_249 = arith.constant 3 : i32
          %add3A_250 = arith.addi %mul3A_248, %add3A_249 : i32
          %get3A_251 = arith.index_cast %add3A_250 : i32 to index
          %get3A_252 = arith.constant 0 : index
          %get3A_253 = tpu.vector_load %arg10[%get3A_251, %get3A_252] {strides = array<i32>} : memref<128x16xf32, #tpu.memory_space<vmem>>, vector<1x16xf32>,
          %get3A_254 = vector.shape_cast %get3A_253 : vector<1x16xf32> to vector<16xf32>
          %mul3A_255 = arith.constant 4 : i32
          %mul3A_256 = arith.muli %mul3A_255, %scan3A_97 : i32
          %add3A_257 = arith.constant 3 : i32
          %add3A_258 = arith.addi %mul3A_256, %add3A_257 : i32
          %get3A_259 = arith.index_cast %add3A_258 : i32 to index
          %get3A_260 = arith.constant 0 : index
          %get3A_261 = tpu.vector_load %arg11[%get3A_259, %get3A_260] {strides = array<i32>} : memref<128x16xf32, #tpu.memory_space<vmem>>, vector<1x16xf32>,
          %get3A_262 = vector.shape_cast %get3A_261 : vector<1x16xf32> to vector<16xf32>
          %mul3A_263 = arith.mulf %get3A_254, %get3A_262 : vector<16xf32>
          %lt3A_264 = arith.constant 0 : i32
          %lt3A_265 = vector.broadcast %lt3A_264 : i32 to vector<16xi32>
          %lt3A_266 = arith.cmpi slt, %xor3A_4, %lt3A_265 : vector<16xi32>
          %add3A_267 = arith.constant 16 : i32
          %add3A_268 = vector.broadcast %add3A_267 : i32 to vector<16xi32>
          %add3A_269 = arith.addi %xor3A_4, %add3A_268 : vector<16xi32>
          %select_n3A_270 = arith.select %lt3A_266, %add3A_269, %xor3A_4 : vector<16xi1>, vector<16xi32>
          %broadcast_in_dim3A_271 = vector.shape_cast %select_n3A_270 : vector<16xi32> to vector<16x1xi32>
          %gather3A_272 = vector.shape_cast %broadcast_in_dim3A_271 : vector<16x1xi32> to vector<16xi32>
          %gather3A_273 = tpu.dynamic_gather %mul3A_263[%gather3A_272] in [0] : vector<16xf32>, vector<16xi32> -> vector<16xf32>
          %add3A_274 = arith.addf %mul3A_263, %gather3A_273 : vector<16xf32>
          %lt3A_275 = arith.constant 0 : i32
          %lt3A_276 = vector.broadcast %lt3A_275 : i32 to vector<16xi32>
          %lt3A_277 = arith.cmpi slt, %xor3A_7, %lt3A_276 : vector<16xi32>
          %add3A_278 = arith.constant 16 : i32
          %add3A_279 = vector.broadcast %add3A_278 : i32 to vector<16xi32>
          %add3A_280 = arith.addi %xor3A_7, %add3A_279 : vector<16xi32>
          %select_n3A_281 = arith.select %lt3A_277, %add3A_280, %xor3A_7 : vector<16xi1>, vector<16xi32>
          %broadcast_in_dim3A_282 = vector.shape_cast %select_n3A_281 : vector<16xi32> to vector<16x1xi32>
          %gather3A_283 = vector.shape_cast %broadcast_in_dim3A_282 : vector<16x1xi32> to vector<16xi32>
          %gather3A_284 = tpu.dynamic_gather %add3A_274[%gather3A_283] in [0] : vector<16xf32>, vector<16xi32> -> vector<16xf32>
          %add3A_285 = arith.addf %add3A_274, %gather3A_284 : vector<16xf32>
          %lt3A_286 = arith.constant 0 : i32
          %lt3A_287 = vector.broadcast %lt3A_286 : i32 to vector<16xi32>
          %lt3A_288 = arith.cmpi slt, %and3A_40, %lt3A_287 : vector<16xi32>
          %add3A_289 = arith.constant 16 : i32
          %add3A_290 = vector.broadcast %add3A_289 : i32 to vector<16xi32>
          %add3A_291 = arith.addi %and3A_40, %add3A_290 : vector<16xi32>
          %select_n3A_292 = arith.select %lt3A_288, %add3A_291, %and3A_40 : vector<16xi1>, vector<16xi32>
          %broadcast_in_dim3A_293 = vector.shape_cast %select_n3A_292 : vector<16xi32> to vector<16x1xi32>
          %gather3A_294 = vector.shape_cast %broadcast_in_dim3A_293 : vector<16x1xi32> to vector<16xi32>
          %gather3A_295 = tpu.dynamic_gather %add3A_285[%gather3A_294] in [0] : vector<16xf32>, vector<16xi32> -> vector<16xf32>
          %select_n3A_296 = arith.select %eq3A_62, %gather3A_295, %select_n3A_246 : vector<16xi1>, vector<16xf32>
          %neg3A = arith.constant 0.000000e+00 : f32
          %neg3A_297 = vector.broadcast %neg3A : f32 to vector<16xf32>
          %neg3A_298 = arith.subf %neg3A_297, %select_n3A_296 : vector<16xf32>
          %exp3A = math.exp %neg3A_298 : vector<16xf32>
          %add3A_299 = arith.addf %broadcast_in_dim3A_63, %exp3A : vector<16xf32>
          %div3A = arith.divf %get3A_2, %add3A_299 : vector<16xf32>
          %add3A_300 = arith.addf %div3A, %broadcast_in_dim3A_63 : vector<16xf32>
          %swap3A = arith.index_cast %scan3A_97 : i32 to index
          %swap3A_301 = arith.constant 0 : index
          %swap3A_302 = tpu.vector_load %arg12[%swap3A, %swap3A_301] {strides = array<i32>} : memref<32x16xf32, #tpu.memory_space<vmem>>, vector<1x16xf32>,
          %swap3A_303 = vector.shape_cast %swap3A_302 : vector<1x16xf32> to vector<16xf32>
          %swap3A_304 = vector.shape_cast %add3A_300 : vector<16xf32> to vector<1x16xf32>
          tpu.vector_store %arg12[%swap3A, %swap3A_301], %swap3A_304 {strides = array<i32>} : memref<32x16xf32, #tpu.memory_space<vmem>>, vector<1x16xf32>,
          %scan3A_305 = arith.constant 0 : i32
          scf.yield %scan3A_305 : i32
        }
        %scan3A_94 = arith.constant 32 : i32
        %mul3A_95 = arith.constant 32 : i32
        %mul3A_96 = arith.muli %add3A_74, %mul3A_95 : i32
        "tpu.region"() ({
          %run_scoped3A = tpu.sem_alloc : memref<!tpu.dma_semaphore, #tpu.memory_space<semaphore_mem>>
          %dma_start3A_97 = arith.constant 0 : i32
          %dma_start3A_98 = tpu.memref_slice %arg7[%mul3A_96, %dma_start3A_97] : memref<80000x16xf32, #tpu.memory_space<hbm>> -> memref<32x16xf32, #tpu.memory_space<hbm>>
          %dma_start3A_99 = arith.constant 0 : i32
          %dma_start3A_100 = tpu.memref_slice %arg7[%mul3A_96, %dma_start3A_99] : memref<80000x16xf32, #tpu.memory_space<hbm>> -> memref<32x16xf32, #tpu.memory_space<hbm>>
          tpu.enqueue_dma source(%arg12 : memref<32x16xf32, #tpu.memory_space<vmem>>) target(%dma_start3A_100 : memref<32x16xf32, #tpu.memory_space<hbm>>) target_semaphore(%run_scoped3A : memref<!tpu.dma_semaphore, #tpu.memory_space<semaphore_mem>>)
          %dma_wait3A_101 = arith.constant 0 : i32
          %dma_wait3A_102 = tpu.memref_slice %arg7[%mul3A_96, %dma_wait3A_101] : memref<80000x16xf32, #tpu.memory_space<hbm>> -> memref<32x16xf32, #tpu.memory_space<hbm>>
          %dma_wait3A_103 = arith.constant 0 : i32
          %dma_wait3A_104 = tpu.memref_slice %arg7[%mul3A_96, %dma_wait3A_103] : memref<80000x16xf32, #tpu.memory_space<hbm>> -> memref<32x16xf32, #tpu.memory_space<hbm>>
          tpu.wait_dma2 semaphore(%run_scoped3A : memref<!tpu.dma_semaphore, #tpu.memory_space<semaphore_mem>>) src(%arg12 : memref<32x16xf32, #tpu.memory_space<vmem>>) dst(%dma_wait3A_104 : memref<32x16xf32, #tpu.memory_space<hbm>>)
          tpu.yield
        }) : () -> ()
      } else {
      }
      %scan3A_77 = arith.constant 0 : i32
      scf.yield %scan3A_77 : i32
    }
    %scan3A_69 = arith.constant 79 : i32
    return
  }
}

module attributes {stable_mosaic.version = 14 : i64} {
  func.func @_proj_body(%arg0: memref<10000x128xf32, #tpu.memory_space<vmem>>, %arg1: memref<128x16xf32, #tpu.memory_space<vmem>>, %arg2: memref<1x16xf32, #tpu.memory_space<vmem>>, %arg3: memref<128x16xf32, #tpu.memory_space<vmem>>, %arg4: memref<1x16xf32, #tpu.memory_space<vmem>>, %arg5: memref<10000x16xf32, #tpu.memory_space<vmem>>, %arg6: memref<10000x16xf32, #tpu.memory_space<vmem>>) attributes {dimension_semantics = [], scalar_prefetch = 0 : i64, scratch_operands = 0 : i64, tpu.core_type = #tpu.core_type<tc>} {
    %get3A = arith.constant 0 : index
    %get3A_0 = arith.constant 0 : index
    %get3A_1 = vector.load %arg0[%get3A, %get3A_0] : memref<10000x128xf32, #tpu.memory_space<vmem>>, vector<10000x128xf32>
    %get3A_2 = arith.constant 0 : index
    %get3A_3 = arith.constant 0 : index
    %get3A_4 = vector.load %arg1[%get3A_2, %get3A_3] : memref<128x16xf32, #tpu.memory_space<vmem>>, vector<128x16xf32>
    %dot_general3A = arith.constant dense<0.000000e+00> : vector<10000x16xf32>
    %dot_general3A_5 = tpu.matmul %get3A_1, %get3A_4, %dot_general3A {dimension_numbers = #tpu.dot_dimension_numbers<[1], [0], [0], [1], [0, 0, 1, 1], [], []>, transpose_lhs_hint = false} : vector<10000x128xf32>, vector<128x16xf32>, vector<10000x16xf32> -> vector<10000x16xf32>
    %get3A_6 = arith.constant 0 : index
    %get3A_7 = arith.constant 0 : index
    %get3A_8 = vector.load %arg2[%get3A_6, %get3A_7] : memref<1x16xf32, #tpu.memory_space<vmem>>, vector<1x16xf32>
    %add3A = vector.broadcast %get3A_8 : vector<1x16xf32> to vector<10000x16xf32>
    %add3A_9 = arith.addf %dot_general3A_5, %add3A : vector<10000x16xf32>
    %swap3A = arith.constant 0 : index
    %swap3A_10 = arith.constant 0 : index
    %swap3A_11 = vector.load %arg5[%swap3A, %swap3A_10] : memref<10000x16xf32, #tpu.memory_space<vmem>>, vector<10000x16xf32>
    tpu.vector_store %arg5[%swap3A, %swap3A_10], %add3A_9 {strides = array<i32>} : memref<10000x16xf32, #tpu.memory_space<vmem>>, vector<10000x16xf32>,
    %get3A_12 = arith.constant 0 : index
    %get3A_13 = arith.constant 0 : index
    %get3A_14 = vector.load %arg3[%get3A_12, %get3A_13] : memref<128x16xf32, #tpu.memory_space<vmem>>, vector<128x16xf32>
    %dot_general3A_15 = arith.constant dense<0.000000e+00> : vector<10000x16xf32>
    %dot_general3A_16 = tpu.matmul %get3A_1, %get3A_14, %dot_general3A_15 {dimension_numbers = #tpu.dot_dimension_numbers<[1], [0], [0], [1], [0, 0, 1, 1], [], []>, transpose_lhs_hint = false} : vector<10000x128xf32>, vector<128x16xf32>, vector<10000x16xf32> -> vector<10000x16xf32>
    %get3A_17 = arith.constant 0 : index
    %get3A_18 = arith.constant 0 : index
    %get3A_19 = vector.load %arg4[%get3A_17, %get3A_18] : memref<1x16xf32, #tpu.memory_space<vmem>>, vector<1x16xf32>
    %add3A_20 = vector.broadcast %get3A_19 : vector<1x16xf32> to vector<10000x16xf32>
    %add3A_21 = arith.addf %dot_general3A_16, %add3A_20 : vector<10000x16xf32>
    %swap3A_22 = arith.constant 0 : index
    %swap3A_23 = arith.constant 0 : index
    %swap3A_24 = vector.load %arg6[%swap3A_22, %swap3A_23] : memref<10000x16xf32, #tpu.memory_space<vmem>>, vector<10000x16xf32>
    tpu.vector_store %arg6[%swap3A_22, %swap3A_23], %add3A_21 {strides = array<i32>} : memref<10000x16xf32, #tpu.memory_space<vmem>>, vector<10000x16xf32>,
    return
  }
}

</mosaic_0001>

<sc_bundles>
// kernel: kernel.4.cloned.1.call-start
scs
__scs_entry_jumppad:
0x0: {  	(pc) =	sbr.rel $0x88, $3  }
0x1: {  	(tag) =	ssettag $0x0;
	lr =	simm.s32 $0x1  }
0x2: {  	[smem:$0x3F9A] =	sst lr;
	_ =	strace $0xD0000000  }
0x3: {  	_ = 	snop  }
0x4: {  	_ = 	snop  }
0x5: {  	_ = 	snop  }
0x6: {  	_ = 	snop  }
0x7: {  	_ = 	snop  }
__scs_overlays_trampoline_lowered:
0x8: {  	[smem:$0x3FA9] =	sst s0  }
0x9: {  	[smem:$0x3FAA] =	sst s1  }
0xa: {  	[smem:$0x3FAB] =	sst s2  }
0xb: {  	[smem:$0x3FAC] =	sst s3  }
0xc: {  	[smem:$0x3FAD] =	sst s4  }
0xd: {  	[smem:$0x3FAE] =	sst s5  }
0xe: {  	[smem:$0x3FAF] =	sst s6  }
0xf: {  	[smem:$0x3FB0] =	sst s7  }
0x10: {  	[smem:$0x3FB1] =	sst s8  }
0x11: {  	[smem:$0x3FB2] =	sst s9;
	s0 =	simm.s32 @!p0 $0x0  }
0x12: {  	s1 =	sld [smem:$0x3F98];
	s0 =	simm.s32 @p0 $0x1  }
0x13: {  	[smem:$0x3FB3] =	sst s0;
	s0 =	simm.s32 @!p1 $0x0  }
0x14: {  	s2 =	sld [smem:$0x3F97];
	s0 =	simm.s32 @p1 $0x1  }
0x15: {  	[smem:$0x3FB4] =	sst s0;
	s0 =	simm.s32 @!p2 $0x0  }
0x16: {  	s3 =	sld [smem:$0x3FDB];
	s0 =	simm.s32 @p2 $0x1  }
0x17: {  	s4 =	simm.s32 $0x1BF5;
	[smem:$0x3FB6] =	sst s0  }
0x18: {  	s0 =	sld [smem:$0x3F99];
	_ =	swait.ge [sflag:s4], $0x0  }
0x19: {  	s7 =	sld [smem:$0x3F9A]  }
0x1a: {  	s8 =	sadd.s32 $0xFFFFE003, lr  }
0x1b: {  	s9 =	sadd.s32 $0xFFFFFEF7, lr;
	s5 =	simm.s32 $0xFFFFFFFF;
	p2 =	slt.u32 s8, $0xFFFFF086  }
0x1c: {  	p1 =	slt.u32 s9, $0xF7A;
	s5 =	simm.s32 @!p2 $0x0  }
0x1d: {  	s5 =	simm.s32 @p1 $0x1;
	p0 =	seq.s32 s7, s2  }
0x1e: {  	s7 =	smul.u32 @!p0 $0xF7A, s2;
	p2 =	seq.s32 @!p0 s5, $0x0  }
0x1f: {  	s9 =	smul.u32 $0xF7A, s1;
	s8 =	simm.s32 @!p0 $0x1BF5;
	p2 =	por !p2, p0  }
0x20: {  	[sflag:s8] =	ssyncset.s32 @!p0 $0xFFFFF086;
	s6 =	sadd.s32 @!p0 s3, s7;
	s7 =	simm.s32 @!p0 $0x108  }
0x21: {  	s3 =	sadd.s32 s3, s9;
	s6 =	sadd.s32 @!p0 $0x88, s6;
	s7 =	simm.s32 @p2 $0x1082  }
0x22: {  	[simem:s7], [sflag:s8] =	dma.local @!p0 [hbm:s6], $0xF7A  }
0x23: {  	s9 =	sor.u32 $0xD0000000, s2;
	s6 =	simm.s32 $0x108;
	_ =	swait.ge @!p0 [sflag:s8], $0x0  }
0x24: {  	s3 =	sadd.s32 $0x88, s3;
	s6 =	simm.s32 @!p1 $0x1082;
	[sflag:s4] =	ssyncset.s32 $0xFFFFF086  }
0x25: {  	[simem:s6], [sflag:s4] =	dma.local [hbm:s3], $0xF7A  }
0x26: {  	[smem:$0x3F9A] =	sst s1;
	(tag) =	ssettag s2;
	_ =	strace s9  }
0x27: {  	s1 =	sld [smem:$0x3FAA]  }
0x28: {  	s2 =	sld [smem:$0x3FAB]  }
0x29: {  	s4 =	sld [smem:$0x3FAD]  }
0x2a: {  	p0 =	seq.s32 s5, $0x0;
	s5 =	sld [smem:$0x3FAE]  }
0x2b: {  	s6 =	sld [smem:$0x3FAF]  }
0x2c: {  	s7 =	sld [smem:$0x3FB0]  }
0x2d: {  	s3 =	simm.s32 $0x108;
	s8 =	sld [smem:$0x3FB1]  }
0x2e: {  	s3 =	simm.s32 @!p0 $0x1082;
	s9 =	sld [smem:$0x3FB2]  }
0x2f: {  	lr =	sadd.s32 s0, s3;
	s0 =	sld [smem:$0x3FA9]  }
0x30: {  	s3 =	sld [smem:$0x3FAC]  }
0x31: {  	[smem:$0x3FB5] =	sst s10  }
0x32: {  	s10 =	sld [smem:$0x3FB3];
	_ =	sdelay $0x3  }
0x33: {  	p0 =	seq.s32 s10, $0x1;
	s10 =	sld [smem:$0x3FB5];
	_ =	sdelay $0x3  }
0x34: {  	[smem:$0x3FB5] =	sst s10  }
0x35: {  	s10 =	sld [smem:$0x3FB4];
	_ =	sdelay $0x3  }
0x36: {  	p1 =	seq.s32 s10, $0x1;
	s10 =	sld [smem:$0x3FB5];
	_ =	sdelay $0x3  }
0x37: {  	[smem:$0x3FB5] =	sst s10  }
0x38: {  	s10 =	sld [smem:$0x3FB6]  }
0x39: {  	_ = 	snop;
	(pc) =	sbr.ind lr, $3  }
0x3a: {  	_ = 	snop  }
0x3b: {  	_ = 	snop  }
0x3c: {  	p2 =	seq.s32 s10, $0x1;
	s10 =	sld [smem:$0x3FB5]  }
0x3d: {  	_ =	shalt  }
0x3e: {  	_ =	shalt  }
0x3f: {  	_ =	shalt  }
0x40: {  	_ =	shalt  }
0x41: {  	_ =	shalt  }
0x42: {  	_ =	shalt  }
0x43: {  	_ =	shalt  }
0x44: {  	_ =	shalt  }
0x45: {  	_ =	shalt  }
0x46: {  	_ =	shalt  }
0x47: {  	_ =	shalt  }
0x48: {  	_ =	shalt  }
0x49: {  	_ =	shalt  }
0x4a: {  	_ =	shalt  }
0x4b: {  	_ =	shalt  }
0x4c: {  	_ =	shalt  }
0x4d: {  	_ =	shalt  }
0x4e: {  	_ =	shalt  }
0x4f: {  	_ =	shalt  }
0x50: {  	_ =	shalt  }
0x51: {  	_ =	shalt  }
0x52: {  	_ =	shalt  }
0x53: {  	_ =	shalt  }
0x54: {  	_ =	shalt  }
0x55: {  	_ =	shalt  }
0x56: {  	_ =	shalt  }
0x57: {  	_ =	shalt  }
0x58: {  	_ =	shalt  }
0x59: {  	_ =	shalt  }
0x5a: {  	_ =	shalt  }
0x5b: {  	_ =	shalt  }
0x5c: {  	_ =	shalt  }
0x5d: {  	_ =	shalt  }
0x5e: {  	_ =	shalt  }
0x5f: {  	_ =	shalt  }
0x60: {  	_ =	shalt  }
0x61: {  	_ =	shalt  }
0x62: {  	_ =	shalt  }
0x63: {  	_ =	shalt  }
0x64: {  	_ =	shalt  }
0x65: {  	_ =	shalt  }
0x66: {  	_ =	shalt  }
0x67: {  	_ =	shalt  }
0x68: {  	_ =	shalt  }
0x69: {  	_ =	shalt  }
0x6a: {  	_ =	shalt  }
0x6b: {  	_ =	shalt  }
0x6c: {  	_ =	shalt  }
0x6d: {  	_ =	shalt  }
0x6e: {  	_ =	shalt  }
0x6f: {  	_ =	shalt  }
0x70: {  	_ =	shalt  }
0x71: {  	_ =	shalt  }
0x72: {  	_ =	shalt  }
0x73: {  	_ =	shalt  }
0x74: {  	_ =	shalt  }
0x75: {  	_ =	shalt  }
0x76: {  	_ =	shalt  }
0x77: {  	_ =	shalt  }
0x78: {  	_ =	shalt  }
0x79: {  	_ =	shalt  }
0x7a: {  	_ =	shalt  }
0x7b: {  	_ =	shalt  }
0x7c: {  	_ =	shalt  }
0x7d: {  	_ =	shalt  }
0x7e: {  	_ =	shalt  }
0x7f: {  	_ =	shalt  }
0x80: {  	_ =	shalt  }
0x81: {  	_ =	shalt  }
0x82: {  	_ =	shalt  }
0x83: {  	_ =	shalt  }
0x84: {  	_ =	shalt  }
0x85: {  	_ =	shalt  }
0x86: {  	_ =	shalt  }
0x87: {  	_ =	shalt  }
.Lfunc_end0:
.L_simem_size_0:
called_computation_lowered:
.L_overlay_start_0:
0x88: {  	s2 =	sld [smem:$0x3FD9]  }
0x89: {  	s3 =	sld [smem:$0x3FFE];
	_ =	sdelay $0x1  }
0x8a: {  	s1 =	srdreg.scid  }
0x8b: {  	s0 =	sand.u32 $0x1, s1  }
0x8c: {  	s14 =	sshll.u32 s0, $0xA;
	s2 =	sadd.s32 s3, s2  }
0x8d: {  	s2 =	sadd.s32 s2, s14  }
0x8e: {  	[smem:$0x3FC1] =	sst s2  }
0x8f: {  	_ = 	snop  }
0x90: {  	s2 =	sld [smem:$0x3FD0];
	_ =	sdelay $0x2  }
0x91: {  	s15 =	simm.s32 $0xA;
	s4 =	simm.s32 $0x10  }
0x92: {  	[smem:s4], [sflag:s15] =	dma.local [hbm:s2], $0x1  }
0x93: {  	_ =	swait.eq [sflag:s15], $0x1  }
0x94: {  	s16 =	sld [smem:$0x10]  }
0x95: {  	s17 =	sld [smem:$0x11];
	[sflag:s15] =	ssyncset.done $0x0  }
0x96: {  	s5 =	sld [smem:$0x12];
	[sflag:s15] =	ssyncadd.s32 $0xFFFFFFFF  }
0x97: {  	s18 =	sld [smem:$0x13];
	(tm) =	ssettm $0x1  }
0x98: {  	s6 =	sld [smem:$0x3FFB];
	_ =	sdelay $0x3  }
0x99: {  	_ =	strace s6  }
0x9a: {  	s6 =	sld [smem:$0x3FFC];
	_ =	sdelay $0x3  }
0x9b: {  	_ =	strace s6  }
0x9c: {  	s6 =	sld [smem:$0x3FFD];
	_ =	sdelay $0x3  }
0x9d: {  	_ =	strace s6  }
0x9e: {  	_ =	strace $0x8FFFFFFF  }
0x9f: {  	s19 =	sld [smem:$0x3FDB];
	_ =	sdelay $0x1  }
0xa0: {  	s7 =	simm.s32 $_scs_section_size  }
0xa1: {  	s8 =	simm.s32 $_size__tile_overlayer_lowered;
	s9 =	simm.s32 $_tile_overlayer_lowered  }
0xa2: {  	s22 =	simm.s32 $0x1BFF;
	s21 =	sshll.u32 s9, $0x1;
	s6 =	sadd.s32 s7, s19  }
0xa3: {  	s10 =	simm.s32 $0x0;
	s20 =	sshll.u32 s8, $0x1;
	s8 =	sadd.s32 s21, s6  }
0xa4: {  	[timem:s10], [sflag:s22] =	dma.local [hbm:s8], s20  }
0xa5: {  	_ =	swait.ge [sflag:s22], s20  }
0xa6: {  	s7 =	ssub.s32 $0x0, s20;
	[sflag:s22] =	ssyncset.done $0x0  }
0xa7: {  	[sflag:s22] =	ssyncadd.s32 s7;
	_ =	sdelay $0x1  }
0xa8: {  	s23 =	simm.s32 $0x1B8B  }
0xa9: {  	_ =	swait.ge [sflag:s23], $0x1  }
0xaa: {  	[sflag:s23] =	ssyncset.done $0x0  }
0xab: {  	s25 =	simm.s32 $0x1B8E;
	s24 =	sld [smem:$0x3FFE];
	[sflag:s23] =	ssyncadd.s32 $0xFFFFFFFF  }
0xac: {  	s26 =	simm.s32 $execute0_lowered;
	[smem:$0x3FD2] =	sst s25  }
0xad: {  	s8 =	sshll.u32 s26, $0x1;
	_ =	strace $0x80000046;
	[dreg:$0x1] =	wrdreg $0xFFFFFFFF  }
0xae: {  	s28 =	simm.s32 $_size_execute0_lowered;
	s6 =	sadd.s32 s6, s8;
	[dreg:$0x0] =	wrdreg $0x0  }
0xaf: {  	s8 =	sshll.u32 s28, $0x1;
	[dreg:$0x2] =	wrdreg s6  }
0xb0: {  	[dreg:$0x3] =	wrdreg s8  }
0xb1: {  	[dreg:$0x4] =	wrdreg $0xC0  }
0xb2: {  	_ =	task [dreg:s10], $0x5FFFF  }
0xb3: {  	[dreg:$0x1] =	wrdreg $0xFFFFFFFF  }
0xb4: {  	[dreg:$0x0] =	wrdreg $0x60  }
0xb5: {  	[dreg:$0x2] =	wrdreg s5  }
0xb6: {  	[dreg:$0x3] =	wrdreg s18  }
0xb7: {  	[dreg:$0x4] =	wrdreg s17  }
0xb8: {  	[dreg:$0x5] =	wrdreg s16  }
0xb9: {  	[dreg:$0x6] =	wrdreg s24  }
0xba: {  	[dreg:$0x7] =	wrdreg $0x9  }
0xbb: {  	_ =	task.clear_ibuf [dreg:s10], $0x8FFFF;
	_ =	strace $0x90000046  }
0xbc: {  	s29 =	simm.s32 $0x9;
	_ =	strace $0x80000048  }
0xbd: {  	_ =	swait.ge [sflag:s29], $0x1  }
0xbe: {  	[sflag:s29] =	ssyncadd.s32 $0xFFFFFFFF  }
0xbf: {  	_ =	strace $0x90000048  }
0xc0: {  	_ =	sfence  }
0xc1: {  	s30 =	sld [smem:$0x0];
	_ =	sdelay $0x2  }
0xc2: {  	s31 =	sshll.u32 s1, $0xD;
	s1 =	sshrl.u32 s1, $0x2  }
0xc3: {  	s3 =	sand.u32 $0x4000, s31;
	s1 =	sadd.s32 s1, s30  }
0xc4: {  	s0 =	sor.u32 s3, s0;
	s1 =	sshll.u32 s1, $0x11  }
0xc5: {  	s0 =	sor.u32 s1, s0  }
0xc6: {  	s0 =	sadd.s32 $0x8F2B, s0  }
0xc7: {  	[sflag:s0] =	ssyncadd.remote.s32 $0x1  }
0xc8: {  	_ =	sfence.sel $0xFFFF  }
0xc9: {  	[dreg:$0x0] =	wrdreg $0xFFFFFFFF;
	(pc) =	sbr.abs _section_cstart, $3  }
0xca: {  	[dreg:$0x1] =	wrdreg $0xFFFFFFFF  }
0xcb: {  	_ =	task.clear_ibuf [dreg:s10], $0x2FFFF;
	_ =	strace $0x9FFFFFFF  }
0xcc: {  	(tm) =	ssettm $0x7FFFFFFF  }
0xcd: {  	_ =	shalt  }
tec
execute0_lowered:
.L_overlay_start_1:
0x0: {  	(tag) =	ssettag $0x1  }
0x1: {  	s0 =	rddreg [dreg:$0x0]  }
0x2: {  	s1 =	rddreg [dreg:$0x1]  }
0x3: {  	s2 =	rddreg [dreg:$0x2]  }
0x4: {  	v0 =	vimm.s32 $0xEFCDAB89;
	s3 =	rddreg [dreg:$0x3];
	v1 =	vimm.s32 $0x67452301  }
0x5: {  	s4 =	srdreg.scid;
	v2 =	vimm.s32 $0xDCFE98BA;
	v3 =	vimm.s32 $0x54761032;
	s5 =	rddreg [dreg:$0x4];
	s7 =	simm.s32 $0x0;
	v0 =	vunpack.c.l.s4.s8 v0  }
0x6: {  	s8 =	stileid.u32;
	s12 =	simm.s32 $0x1300;
	s13 =	simm.s32 $0x2;
	v1 =	vunpack.c.l.s4.s8 v1;
	v2 =	vunpack.c.l.s4.s8 v2;
	v3 =	vunpack.c.l.s4.s8 v3  }
0x7: {  	s14 =	simm.s32 $0x3;
	s15 =	simm.s32 $0x80;
	s16 =	simm.s32 $0x100;
	v0 =	vunpack.c.0.s8.s32 v0  }
.Ltmp0:
0x8: {  	s17 =	simm.s32 $0x900;
	s6 =	sand.u32 $0x1, s4;
	v1 =	vunpack.c.0.s8.s32 v1;
	v2 =	vunpack.c.0.s8.s32 v2;
	v3 =	vunpack.c.0.s8.s32 v3;
	(pc) =	sbr.rel .LBB2_1-.Ltmp0, $4  }
0x9: {  	s18 =	simm.s32 $0x1;
	vm0 =	vmmov $0xf;
	s19 =	simm.s32 $0x1100;
	s9 =	ssub.s32 $0x2, s6  }
0xa: {  	s20 =	simm.s32 $0x0;
	[smem:$0x7FF] =	sst s7;
	s10 =	sshrl.u32 s9, $0x1;
	v0 =	vcombine.low v1, v0;
	v1 =	vcombine.low v3, v2;
	v2 =	vlaneseq.u32  }
0xb: {  	vm1 =	vmmov $0xff;
	vm2 =	vmmov $0xfff;
	s4 =	rddreg [dreg:$0x5];
	_ =	strace $0x80000047;
	s11 =	ssub.s32 s9, s10;
	v2 =	vand.u32 $0x3, v2  }
0xc: {  	s9 =	sadd.s32 $0x200, s5;
	s10 =	sshll.u32 s8, $0x1;
	s11 =	smax.u32 s11, $0x1;
	v0 =	vand.u32 $0xF, v0;
	v1 =	vand.u32 $0xF, v1;
	v2 =	vmul.u32 $0x4, v2  }
.LBB2_7:
0xd: {  	s20 =	sadd.s32 $0x1, s20  }
0xe: {  	p0 =	sne.s32 s20, s11  }
.Ltmp1:
0xf: {  	_ = 	snop;
	(pc) =	sbr.rel @!p0 .LBB2_8-.Ltmp1, $1  }
0x10: {  	_ =	sdelay $0x3  }
.LBB2_1:
0x11: {  	[tilespmem:s12], [sflag:$0x2] =	stream.linear.gather [hbm4b:s5+s7], $0x10, $0x38;
	[tilespmem:$0x1310] =	vst v63  }
.Ltmp2:
0x12: {  	_ = 	snop;
	(pc) =	sbr.rel .LBB2_2-.Ltmp2, $4  }
0x13: {  	_ =	swait.ge [sflag:s13], $0x10  }
0x14: {  	[sflag:s13] =	ssyncset.done $0x0  }
0x15: {  	[sflag:s13] =	ssyncadd.s32 $0xFFFFFFF0  }
0x16: {  	s21 =	simm.s32 $0x0;
	v3 =	vld [tilespmem:$0x1300]  }
.LBB2_6:
0x17: {  	s21 =	sadd.s32 $0x1, s21  }
0x18: {  	p0 =	sne.s32 s21, $0x4F  }
.Ltmp3:
0x19: {  	_ = 	snop;
	(pc) =	sbr.rel @!p0 .LBB2_7-.Ltmp3, $1  }
0x1a: {  	_ =	sdelay $0x3  }
.LBB2_2:
0x1b: {  	s22 =	sshll.u32 s21, $0x5  }
0x1c: {  	s22 =	sor.u32 s10, s22  }
0x1d: {  	p0 =	sgt.u32 s22, $0x9C3  }
.Ltmp4:
0x1e: {  	_ = 	snop;
	(pc) =	sbr.rel @p0 .LBB2_6-.Ltmp4, $1  }
0x1f: {  	_ =	sdelay $0x3  }
0x20: {  	s22 =	sor.u32 s6, s22  }
0x21: {  	s23 =	sshll.u32 s22, $0x4  }
0x22: {  	s25 =	simm.s32 $0x0;
	s24 =	sadd.s32 s2, s23  }
0x23: {  	[tilespmem:s25], [sflag:$0x3] =	stream.linear.gather [hbm4b:s24+s25], $0x80, $0x38;
	[tilespmem:$0x1310] =	vst v63  }
0x24: {  	_ =	swait.ge [sflag:s14], $0x80  }
0x25: {  	[sflag:s14] =	ssyncset.done $0x0  }
0x26: {  	s23 =	sadd.s32 s3, s23;
	[sflag:s14] =	ssyncadd.s32 $0xFFFFFF80  }
0x27: {  	[tilespmem:s15], [sflag:$0x3] =	stream.linear.gather [hbm4b:s23+s25], $0x80, $0x38;
	[tilespmem:$0x1310] =	vst v63  }
0x28: {  	_ =	swait.ge [sflag:s14], $0x80  }
0x29: {  	[sflag:s14] =	ssyncset.done $0x0  }
0x2a: {  	[sflag:s14] =	ssyncadd.s32 $0xFFFFFF80  }
0x2b: {  	[tilespmem:s16], [sflag:$0x1] =	stream.indirect.gather [hbm4b:s0+s15], $0x10, s25, s15, $0xb8;
	[tilespmem:$0x1310] =	vst v63  }
0x2c: {  	_ = 	snop  }
0x2d: {  	[tilespmem:s17], [sflag:$0x1] =	stream.indirect.gather [hbm4b:s1+s15], $0x10, s15, s15, $0xb8;
	[tilespmem:$0x1310] =	vst v63  }
0x2e: {  	_ =	swait.ge [sflag:s18], $0x800  }
0x2f: {  	[sflag:s18] =	ssyncset.done $0x0  }
0x30: {  	[sflag:s18] =	ssyncadd.s32 $0xFFFFF800  }
0x31: {  	_ =	swait.ge [sflag:s18], $0x800  }
0x32: {  	[sflag:s18] =	ssyncset.done $0x0  }
0x33: {  	s31 =	simm.s32 $0x0;
	[sflag:s18] =	ssyncadd.s32 $0xFFFFF800  }
0x34: {  	v4 =	vld [tilespmem:s31+$0x130]  }
0x35: {  	v5 =	vld [tilespmem:s31+$0x930]  }
0x36: {  	v6 =	vld [tilespmem:s31+$0x120]  }
0x37: {  	v7 =	vld [tilespmem:s31+$0x900]  }
0x38: {  	v8 =	vld [tilespmem:s31+$0x100]  }
0x39: {  	v9 =	vld [tilespmem:s31+$0x110]  }
0x3a: {  	v10 =	vld [tilespmem:s31+$0x910]  }
0x3b: {  	v11 =	vld [tilespmem:s31+$0x920];
	_ =	sdelay $0x3  }
0x3c: {  	v7 =	vmul.f32 v7, v8;
	v8 =	vmul.f32 v10, v9  }
0x3d: {  	v6 =	vmul.f32 v11, v6;
	v4 =	vmul.f32 v5, v4  }
0x3e: {  	v5 =	vperm.xlane v7, v0;
	v9 =	vperm.xlane v8, v0  }
0x3f: {  	v10 =	vperm.xlane v6, v0  }
0x40: {  	v5 =	vadd.f32 v5, v7;
	v7 =	vadd.f32 v9, v8;
	v8 =	vperm.xlane v4, v0  }
0x41: {  	v6 =	vadd.f32 v10, v6  }
0x42: {  	v9 =	vperm.xlane v5, v1;
	v10 =	vperm.xlane v7, v1;
	v4 =	vadd.f32 v8, v4  }
0x43: {  	v8 =	vperm.xlane v6, v1  }
0x44: {  	v5 =	vadd.f32 v9, v5;
	v7 =	vadd.f32 v10, v7;
	v9 =	vperm.xlane v4, v1  }
0x45: {  	v6 =	vadd.f32 v8, v6  }
0x46: {  	v5 =	vperm.xlane v5, v2;
	v7 =	vperm.xlane v7, v2;
	v4 =	vadd.f32 v9, v4  }
0x47: {  	v6 =	vperm.xlane v6, v2  }
0x48: {  	v5 =	vsel vm0, v5, v7;
	v4 =	vperm.xlane v4, v2  }
0x49: {  	v5 =	vsel vm1, v5, v6  }
0x4a: {  	v4 =	vsel vm2, v5, v4  }
0x4b: {  	v4 =	vsub.f32 $0.0e+00, v4;
	_ =	sdelay $0x1  }
0x4c: {  	v4 =	vmul.f32 $1.442695020e+00, v4;
	_ =	sdelay $0x1  }
0x4d: {  	(erf) = vpow2.f32 v4;
	_ =	sdelay $0x8  }
0x4e: {  	v4 =	vpop (erf)  }
0x4f: {  	v4 =	vadd.f32 $1.000000000e+00, v4;
	_ =	sdelay $0x1  }
0x50: {  	(erf) = vrcp.f32 v4;
	_ =	sdelay $0x8  }
0x51: {  	v4 =	vpop (erf)  }
0x52: {  	v4 =	vmul.f32 v4, v3;
	_ =	sdelay $0x1  }
0x53: {  	v4 =	vadd.f32 $1.000000000e+00, v4  }
0x54: {  	s23 =	simm.s32 $0x1100  }
0x55: {  	s25 =	simm.s32 $0x40;
	[tilespmem:s23+$0x0] =	vst v4  }
0x56: {  	v4 =	vld [tilespmem:s25+$0x130]  }
0x57: {  	v5 =	vld [tilespmem:s25+$0x930]  }
0x58: {  	v6 =	vld [tilespmem:s25+$0x120]  }
0x59: {  	v7 =	vld [tilespmem:s25+$0x900]  }
0x5a: {  	v8 =	vld [tilespmem:s25+$0x100]  }
0x5b: {  	s24 =	simm.s32 $0x200;
	v9 =	vld [tilespmem:s25+$0x110]  }
.LBB2_4:
0x5c: {  	p0 =	sne.s32 s24, $0x1F00;
	v10 =	vld [tilespmem:s25+$0x910]  }
0x5d: {  	v11 =	vld [tilespmem:s25+$0x920];
	_ =	sdelay $0x3  }
0x5e: {  	v7 =	vmul.f32 v7, v8;
	v8 =	vmul.f32 v10, v9  }
0x5f: {  	v4 =	vmul.f32 v5, v4;
	v6 =	vmul.f32 v11, v6  }
0x60: {  	v5 =	vperm.xlane v7, v0;
	v9 =	vperm.xlane v8, v0  }
0x61: {  	v10 =	vperm.xlane v6, v0  }
0x62: {  	v5 =	vadd.f32 v5, v7;
	v7 =	vadd.f32 v9, v8;
	v8 =	vperm.xlane v4, v0  }
0x63: {  	v6 =	vadd.f32 v10, v6  }
0x64: {  	v9 =	vperm.xlane v5, v1;
	v10 =	vperm.xlane v7, v1;
	v4 =	vadd.f32 v8, v4  }
0x65: {  	v8 =	vperm.xlane v6, v1  }
0x66: {  	v5 =	vadd.f32 v9, v5;
	v7 =	vadd.f32 v10, v7;
	v9 =	vperm.xlane v4, v1  }
0x67: {  	v6 =	vadd.f32 v8, v6  }
0x68: {  	v5 =	vperm.xlane v5, v2;
	v7 =	vperm.xlane v7, v2;
	v4 =	vadd.f32 v9, v4  }
0x69: {  	v6 =	vperm.xlane v6, v2  }
0x6a: {  	v5 =	vsel vm0, v5, v7;
	v4 =	vperm.xlane v4, v2  }
0x6b: {  	v5 =	vsel vm1, v5, v6  }
0x6c: {  	v4 =	vsel vm2, v5, v4  }
0x6d: {  	v4 =	vsub.f32 $0.0e+00, v4;
	_ =	sdelay $0x1  }
0x6e: {  	v4 =	vmul.f32 $1.442695020e+00, v4;
	_ =	sdelay $0x1  }
0x6f: {  	(erf) = vpow2.f32 v4;
	_ =	sdelay $0x8  }
0x70: {  	v4 =	vpop (erf)  }
0x71: {  	v4 =	vadd.f32 $1.000000000e+00, v4;
	_ =	sdelay $0x1  }
0x72: {  	(erf) = vrcp.f32 v4;
	_ =	sdelay $0x8  }
0x73: {  	v4 =	vpop (erf)  }
0x74: {  	v4 =	vmul.f32 v4, v3;
	_ =	sdelay $0x1  }
0x75: {  	v4 =	vadd.f32 $1.000000000e+00, v4  }
0x76: {  	s23 =	sadd.s32 $0x10, s23  }
0x77: {  	s25 =	sshra.s32 s24, $0x2;
	[tilespmem:s23+$0x0] =	vst v4  }
0x78: {  	v4 =	vld [tilespmem:s25+$0x130]  }
.Ltmp5:
0x79: {  	v5 =	vld [tilespmem:s25+$0x930];
	(pc) =	sbr.rel @p0 .LBB2_4-.Ltmp5, $4  }
0x7a: {  	v6 =	vld [tilespmem:s25+$0x120]  }
0x7b: {  	v7 =	vld [tilespmem:s25+$0x900]  }
0x7c: {  	v8 =	vld [tilespmem:s25+$0x100]  }
0x7d: {  	s24 =	sadd.s32 $0x100, s24;
	v9 =	vld [tilespmem:s25+$0x110]  }
0x7e: {  	v10 =	vld [tilespmem:s25+$0x910]  }
0x7f: {  	v11 =	vld [tilespmem:s25+$0x920];
	_ =	sdelay $0x3  }
0x80: {  	v7 =	vmul.f32 v7, v8;
	v56 =	vmul.f32 v10, v9  }
0x81: {  	v4 =	vmul.f32 v5, v4;
	v6 =	vmul.f32 v11, v6  }
0x82: {  	v5 =	vperm.xlane v7, v0;
	v9 =	vperm.xlane v56, v0  }
0x83: {  	v57 =	vperm.xlane v6, v0  }
0x84: {  	v59 =	vperm.xlane v4, v0;
	v5 =	vadd.f32 v5, v7;
	v58 =	vadd.f32 v9, v56  }
0x85: {  	v6 =	vadd.f32 v57, v6  }
0x86: {  	v4 =	vadd.f32 v59, v4;
	v60 =	vperm.xlane v5, v1;
	v61 =	vperm.xlane v58, v1  }
0x87: {  	v62 =	vperm.xlane v6, v1  }
0x88: {  	v63 =	vperm.xlane v4, v1;
	v5 =	vadd.f32 v60, v5;
	v7 =	vadd.f32 v61, v58  }
0x89: {  	v6 =	vadd.f32 v62, v6  }
0x8a: {  	v4 =	vadd.f32 v63, v4;
	v5 =	vperm.xlane v5, v2;
	v7 =	vperm.xlane v7, v2  }
0x8b: {  	v6 =	vperm.xlane v6, v2  }
0x8c: {  	v4 =	vperm.xlane v4, v2;
	v5 =	vsel vm0, v5, v7  }
0x8d: {  	v5 =	vsel vm1, v5, v6  }
0x8e: {  	v4 =	vsel vm2, v5, v4  }
0x8f: {  	v4 =	vsub.f32 $0.0e+00, v4;
	_ =	sdelay $0x1  }
0x90: {  	v4 =	vmul.f32 $1.442695020e+00, v4;
	_ =	sdelay $0x1  }
0x91: {  	(erf) = vpow2.f32 v4;
	_ =	sdelay $0x8  }
0x92: {  	v4 =	vpop (erf)  }
0x93: {  	v4 =	vadd.f32 $1.000000000e+00, v4;
	_ =	sdelay $0x1  }
0x94: {  	(erf) = vrcp.f32 v4;
	_ =	sdelay $0x8  }
0x95: {  	v4 =	vpop (erf)  }
0x96: {  	v4 =	vmul.f32 v4, v3;
	_ =	sdelay $0x1  }
0x97: {  	v4 =	vadd.f32 $1.000000000e+00, v4  }
0x98: {  	s23 =	sadd.s32 $0x10, s23;
	s22 =	sshll.u32 s22, $0x6  }
.Ltmp6:
0x99: {  	s22 =	sadd.s32 s9, s22;
	[tilespmem:s23+$0x0] =	vst v4;
	(pc) =	sbr.rel .LBB2_6-.Ltmp6, $4  }
0x9a: {  	[hbm4b:s22+s7] =	stream.linear.scatter [tilespmem:s19], [sflag:$0x2], $0x200, $0x38;
	[tilespmem:$0x1310] =	vst v63  }
0x9b: {  	_ =	swait.ge [sflag:s13], $0x200  }
0x9c: {  	[sflag:s13] =	ssyncset.done $0x0  }
0x9d: {  	[sflag:s13] =	ssyncadd.s32 $0xFFFFFE00  }
.LBB2_8:
0x9e: {  	_ =	sfence.sel $0x180000  }
0x9f: {  	[bflag:$0x0] =	sbarrier.arrive $0xFFFF  }
0xa0: {  	p0 =	sne.s32 s8, $0x0;
	_ =	strace $0x90000047  }
0xa1: {  	s0 =	sadd.s32 @!p0 $0x100000, s4;
	[bflag:$0x2] =	sbarrier.arrive $0xFFFF  }
0xa2: {  	[sflag:s0] =	ssyncadd.tile.s32 @!p0 $0x1;
	_ =	shalt  }
.Lfunc_end2:
_tile_overlayer_lowered:
.L_overlay_start_2:
0xa3: {  	(tag) =	ssettag $0x2  }
0xa4: {  	s0 =	rddreg [dreg:$0x0];
	s2 =	stileid.u32  }
0xa5: {  	s1 =	rddreg [dreg:$0x1];
	p0 =	sne.s32 s2, $0x0  }
0xa6: {  	s3 =	rddreg [dreg:$0x2];
	[bflag:$0x3] =	sbarrier.arrive $0xFFFF;
	s2 =	simm.s32 @!p0 $0x1C02  }
0xa7: {  	[timem:s3], [sflag:s2] =	dma.local @!p0 [hbm:s0], s1  }
0xa8: {  	s0 =	simm.s32 @!p0 $0x2  }
0xa9: {  	_ =	swait.ge @!p0 [sflag:s0], s1  }
0xaa: {  	s1 =	ssub.s32 @!p0 $0x0, s1;
	[sflag:s0] =	ssyncset.done @!p0 $0x0  }
0xab: {  	[sflag:s0] =	ssyncadd.s32 @!p0 s1  }
0xac: {  	[bflag:$0x3] =	sbarrier.arrive $0xFFFF  }
0xad: {  	_ =	shalt  }

</sc_bundles>
